<compile_context>
chip_gen: v7x
topology: tpu7x:2x2x1
jax: 0.10.2.dev20260603
libtpu: 0.0.44.dev20260713+nightly
codegen_flags: <defaults>
</compile_context>

<pallas_src>
import functools

import jax
import jax.numpy as jnp
from jax import lax
from jax.experimental import pallas as pl
from jax.experimental.pallas import tpu as pltpu
from jax.experimental.pallas import tpu_sc as plsc

_K = 8192
_D = 32
_B = 8192
_BETA = 0.25
_BB = 2048
_W = 2048
_NW = 32
_BPW = _B // _NW


def _rownorm(x):
    sq = x * x
    p = ((sq[:, 8:16] + sq[:, 0:8]) + sq[:, 16:24]) + sq[:, 24:32]
    q = p[:, 4:8] + p[:, 0:4]
    r = q[:, 2:4] + q[:, 0:2]
    return r[:, 1:2] + r[:, 0:1]


def _colnorm(xt):
    sq = xt * xt
    p = ((sq[8:16, :] + sq[0:8, :]) + sq[16:24, :]) + sq[24:32, :]
    q = p[4:8, :] + p[0:4, :]
    r = q[2:4, :] + q[0:2, :]
    return r[1:2, :] + r[0:1, :]


def _prep_body(cb_ref, cb2_ref, cnorm_ref):
    cb = cb_ref[...]
    cb2_ref[...] = cb + cb
    cnorm_ref[...] = _colnorm(cb.T).T


def _prep_call(codebook):
    return pl.pallas_call(
        _prep_body,
        out_shape=[
            jax.ShapeDtypeStruct((_K, _D), jnp.float32),
            jax.ShapeDtypeStruct((_K, 1), jnp.float32),
        ],
    )(codebook)


def _argmin_body(z_ref, cb_ref, idx_ref, loss_ref, cb2_ref, cn_ref):
    @pl.when(pl.program_id(0) == 0)
    def _():
        cb = cb_ref[...]
        cb2_ref[...] = cb + cb
        cn_ref[...] = _colnorm(cb.T).T
        loss_ref[0] = 0.0

    zt = z_ref[...].T
    znorm = _colnorm(zt)
    best_v = best_i = loss_m = None
    for c in range(_K // _W):
        cw2 = cb2_ref[pl.ds(c * _W, _W), :]
        cnorm = cn_ref[pl.ds(c * _W, _W), :]
        zc2 = lax.dot_general(cw2, zt, (((1,), (0,)), ((), ())),
                              preferred_element_type=jnp.float32)
        d2 = (znorm - zc2) + cnorm
        m = jnp.min(d2, axis=0)
        iota = lax.broadcasted_iota(jnp.int32, (_W, _BB), 0)
        il = jnp.min(jnp.where(d2 == m[None, :], iota, _W), axis=0)
        i = il + (c * _W)
        mb = m.astype(jnp.bfloat16).astype(jnp.float32)
        if best_v is None:
            best_v, best_i, loss_m = mb, i, m
        else:
            take = (m < best_v) | ((m == best_v) & (i < best_i))
            best_v = jnp.where(take, mb, best_v)
            best_i = jnp.where(take, i, best_i)
            loss_m = jnp.minimum(loss_m, m)
    idx_ref[...] = best_i
    loss_ref[0] += jnp.sum(loss_m)


def _argmin_call(z_e, codebook):
    return pl.pallas_call(
        _argmin_body,
        grid=(_B // _BB,),
        in_specs=[
            pl.BlockSpec((_BB, _D), lambda i: (i, 0)),
            pl.BlockSpec((_K, _D), lambda i: (0, 0)),
        ],
        scratch_shapes=[
            pltpu.VMEM((_K, _D), jnp.float32),
            pltpu.VMEM((_K, 1), jnp.float32),
        ],
        out_specs=[
            pl.BlockSpec((_BB,), lambda i: (i,)),
            pl.BlockSpec(memory_space=pltpu.SMEM),
        ],
        out_shape=[
            jax.ShapeDtypeStruct((_B,), jnp.int32),
            jax.ShapeDtypeStruct((1,), jnp.float32),
        ],
        compiler_params=pltpu.CompilerParams(
            dimension_semantics=("arbitrary",)),
    )(z_e, codebook)


@functools.cache
def _make_gather_rows():
    @functools.partial(
        pl.kernel,
        mesh=plsc.VectorSubcoreMesh(core_axis_name="c", subcore_axis_name="s"),
        out_type=jax.ShapeDtypeStruct((_B, _D), jnp.float32),
        scratch_types=[
            pltpu.VMEM((_BPW,), jnp.int32),
            pltpu.VMEM((_BPW, _D), jnp.float32),
            pltpu.SemaphoreType.DMA,
        ],
        compiler_params=pltpu.CompilerParams(use_tc_tiling_on_sc=False),
    )
    def _gather_rows(cb_hbm, idx_hbm, out_hbm, idx_v, rows_v, sem):
        wid = lax.axis_index("s") * 2 + lax.axis_index("c")
        base = wid * _BPW
        pltpu.sync_copy(idx_hbm.at[pl.ds(base, _BPW)], idx_v)
        pltpu.async_copy(cb_hbm.at[idx_v], rows_v, sem).wait()
        pltpu.sync_copy(rows_v, out_hbm.at[pl.ds(base, _BPW)])

    return _gather_rows


def kernel(z_e, codebook):
    idx, loss_sum = _argmin_call(z_e, codebook)
    z_q = _make_gather_rows()(codebook, idx)
    vq_loss = (1.0 + _BETA) * loss_sum[0] / (_B * _D)
    return (z_q, idx, vq_loss)

# --- scband reference (transcript-rebuilt; emitter-appended) ---
"""Pipeline reference for scband-vector-quantizer-36644660969912 (READ-ONLY COPY).

The authoritative reference and input builder live on the scoring server;
editing this copy changes nothing except your own understanding.
"""

import jax, jax.numpy as jnp
import numpy as np

K = 8192
D = 32
B = 8192
BETA = 0.25

def setup_inputs(seed: int = 0) -> dict:
    key = jax.random.key(seed)
    k1, k2 = jax.random.split(key)
    z_e = jax.random.normal(k1, (B, D), dtype=jnp.float32)
    codebook = jax.random.normal(k2, (K, D), dtype=jnp.float32)
    return {"z_e": z_e, "codebook": codebook}

def reference(z_e, codebook):
    # distances ||z_e - e_k||^2 = ||z_e||^2 - 2 z_e e_k^T + ||e_k||^2
    # (sqrt omitted: argmin is identical for squared distances)
    d2 = (jnp.sum(z_e * z_e, axis=1, keepdims=True)
          - 2.0 * (z_e @ codebook.T)
          + jnp.sum(codebook * codebook, axis=1)[None, :])
    indices = jnp.argmin(d2, axis=1)
    z_q = jnp.take(codebook, indices, axis=0)
    codebook_loss = jnp.mean((z_q - jax.lax.stop_gradient(z_e)) ** 2)
    commitment_loss = jnp.mean((z_e - jax.lax.stop_gradient(z_q)) ** 2)
    vq_loss = codebook_loss + BETA * commitment_loss
    z_q_st = z_e + jax.lax.stop_gradient(z_q - z_e)
    return (z_q_st, indices, vq_loss)

if __name__ == "__main__":
    import jax
    _d = setup_inputs()
    print(jax.jit(kernel)(*tuple(_d.values())))

</pallas_src>

<mosaic_0001>
#map = affine_map<(d0, d1) -> (0, 0)>
#map1 = affine_map<(d0, d1) -> (0)>
module attributes {stable_mosaic.version = 14 : i64} {
  func.func @_gather_rows(%arg0: i32, %arg1: i32, %arg2: memref<8192x32xf32, #tpu.memory_space<hbm>>, %arg3: memref<8192xi32, #tpu.memory_space<hbm>>, %arg4: memref<8192x32xf32, #tpu.memory_space<hbm>>, %arg5: memref<256xi32, #tpu.memory_space<vmem>>, %arg6: memref<256x32xf32, #tpu.memory_space<vmem>>, %arg7: memref<!tpu.dma_semaphore, #tpu.memory_space<semaphore_mem>>) attributes {dimension_semantics = [#tpu.dimension_semantics<core_parallel>, #tpu.dimension_semantics<subcore_parallel>], iteration_bounds = array<i64: 2, 16>, scalar_prefetch = 0 : i64, scratch_operands = 3 : i64, tpu.core_type = #tpu.core_type<sc_vector_subcore>, window_params = [{transform_indices = #map}, {transform_indices = #map1}, {transform_indices = #map}]} {
    %mul3A = arith.constant 2 : i32
    %mul3A_0 = arith.muli %arg1, %mul3A : i32
    %add3A = arith.addi %mul3A_0, %arg0 : i32
    %mul3A_1 = arith.constant 256 : i32
    %mul3A_2 = arith.muli %add3A, %mul3A_1 : i32
    "tpu.region"() ({
      %run_scoped3A = tpu.sem_alloc : memref<!tpu.dma_semaphore, #tpu.memory_space<semaphore_mem>>
      %dma_start3A_7 = tpu.memref_slice %arg3[%mul3A_2] : memref<8192xi32, #tpu.memory_space<hbm>> -> memref<256xi32, #tpu.memory_space<hbm>>
      %dma_start3A_8 = tpu.memref_slice %arg3[%mul3A_2] : memref<8192xi32, #tpu.memory_space<hbm>> -> memref<256xi32, #tpu.memory_space<hbm>>
      tpu.enqueue_dma source(%dma_start3A_8 : memref<256xi32, #tpu.memory_space<hbm>>) target(%arg5 : memref<256xi32, #tpu.memory_space<vmem>>) target_semaphore(%run_scoped3A : memref<!tpu.dma_semaphore, #tpu.memory_space<semaphore_mem>>)
      %dma_wait3A_9 = tpu.memref_slice %arg3[%mul3A_2] : memref<8192xi32, #tpu.memory_space<hbm>> -> memref<256xi32, #tpu.memory_space<hbm>>
      %dma_wait3A_10 = tpu.memref_slice %arg3[%mul3A_2] : memref<8192xi32, #tpu.memory_space<hbm>> -> memref<256xi32, #tpu.memory_space<hbm>>
      tpu.wait_dma2 semaphore(%run_scoped3A : memref<!tpu.dma_semaphore, #tpu.memory_space<semaphore_mem>>) src(%dma_wait3A_10 : memref<256xi32, #tpu.memory_space<hbm>>) dst(%arg5 : memref<256xi32, #tpu.memory_space<vmem>>)
      tpu.yield
    }) : () -> ()
    %dma_start3A = arith.constant 0 : i32
    %dma_start3A_3 = arith.constant 0 : i32
    %dma_start3A_4 = tpu.memref_slice %arg2[%dma_start3A, %dma_start3A_3] : memref<8192x32xf32, #tpu.memory_space<hbm>> -> memref<8192x32xf32, #tpu.memory_space<hbm>>
    tpu.enqueue_indirect_dma source(%dma_start3A_4 : memref<8192x32xf32, #tpu.memory_space<hbm>>) target(%arg6 : memref<256x32xf32, #tpu.memory_space<vmem>>) offsets(%arg5 : memref<256xi32, #tpu.memory_space<vmem>>) semaphore(%arg7 : memref<!tpu.dma_semaphore, #tpu.memory_space<semaphore_mem>>)
    %dma_wait3A = arith.constant 0 : i32
    %dma_wait3A_5 = arith.constant 0 : i32
    %dma_wait3A_6 = tpu.memref_slice %arg2[%dma_wait3A, %dma_wait3A_5] : memref<8192x32xf32, #tpu.memory_space<hbm>> -> memref<8192x32xf32, #tpu.memory_space<hbm>>
    tpu.wait_indirect_dma semaphore(%arg7 : memref<!tpu.dma_semaphore, #tpu.memory_space<semaphore_mem>>) src(%dma_wait3A_6 : memref<8192x32xf32, #tpu.memory_space<hbm>>) dst(%arg6 : memref<256x32xf32, #tpu.memory_space<vmem>>)
    "tpu.region"() ({
      %run_scoped3A = tpu.sem_alloc : memref<!tpu.dma_semaphore, #tpu.memory_space<semaphore_mem>>
      %dma_start3A_7 = arith.constant 0 : i32
      %dma_start3A_8 = tpu.memref_slice %arg4[%mul3A_2, %dma_start3A_7] : memref<8192x32xf32, #tpu.memory_space<hbm>> -> memref<256x32xf32, #tpu.memory_space<hbm>>
      %dma_start3A_9 = arith.constant 0 : i32
      %dma_start3A_10 = tpu.memref_slice %arg4[%mul3A_2, %dma_start3A_9] : memref<8192x32xf32, #tpu.memory_space<hbm>> -> memref<256x32xf32, #tpu.memory_space<hbm>>
      tpu.enqueue_dma source(%arg6 : memref<256x32xf32, #tpu.memory_space<vmem>>) target(%dma_start3A_10 : memref<256x32xf32, #tpu.memory_space<hbm>>) target_semaphore(%run_scoped3A : memref<!tpu.dma_semaphore, #tpu.memory_space<semaphore_mem>>)
      %dma_wait3A_11 = arith.constant 0 : i32
      %dma_wait3A_12 = tpu.memref_slice %arg4[%mul3A_2, %dma_wait3A_11] : memref<8192x32xf32, #tpu.memory_space<hbm>> -> memref<256x32xf32, #tpu.memory_space<hbm>>
      %dma_wait3A_13 = arith.constant 0 : i32
      %dma_wait3A_14 = tpu.memref_slice %arg4[%mul3A_2, %dma_wait3A_13] : memref<8192x32xf32, #tpu.memory_space<hbm>> -> memref<256x32xf32, #tpu.memory_space<hbm>>
      tpu.wait_dma2 semaphore(%run_scoped3A : memref<!tpu.dma_semaphore, #tpu.memory_space<semaphore_mem>>) src(%arg6 : memref<256x32xf32, #tpu.memory_space<vmem>>) dst(%dma_wait3A_14 : memref<256x32xf32, #tpu.memory_space<hbm>>)
      tpu.yield
    }) : () -> ()
    return
  }
}

module attributes {stable_mosaic.version = 14 : i64} {
  func.func @_argmin_body(%arg0: i32, %arg1: memref<2048x32xf32, #tpu.memory_space<vmem>>, %arg2: memref<8192x32xf32, #tpu.memory_space<vmem>>, %arg3: memref<2048xi32, #tpu.memory_space<vmem>>, %arg4: memref<1xf32, #tpu.memory_space<smem>>, %arg5: memref<8192x32xf32, #tpu.memory_space<vmem>>, %arg6: memref<8192x1xf32, #tpu.memory_space<vmem>>) attributes {dimension_semantics = [#tpu.dimension_semantics<arbitrary>], iteration_bounds = array<i64: 4>, scalar_prefetch = 0 : i64, scratch_operands = 2 : i64, tpu.core_type = #tpu.core_type<tc>, window_params = [{transform_indices = @transform_0, window_bounds = array<i64: 2048, 32>}, {pipeline_mode = #tpu.pipeline_mode<synchronous>, transform_indices = @transform_1, window_bounds = array<i64: 8192, 32>}, {transform_indices = @transform_2, window_bounds = array<i64: 2048>}, {transform_indices = @transform_3, window_bounds = array<i64: 1>}]} {
    %eq3A = arith.constant 0 : i32
    %eq3A_0 = arith.cmpi eq, %arg0, %eq3A : i32
    %convert_element_type3A = arith.extui %eq3A_0 : i1 to i32
    %cond3A = arith.constant 0 : i32
    %cond3A_1 = arith.cmpi ne, %convert_element_type3A, %cond3A : i32
    scf.if %cond3A_1 {
      %get3A_150 = arith.constant 0 : index
      %get3A_151 = arith.constant 0 : index
      %get3A_152 = vector.load %arg2[%get3A_150, %get3A_151] : memref<8192x32xf32, #tpu.memory_space<vmem>>, vector<8192x32xf32>
      %add3A_153 = arith.addf %get3A_152, %get3A_152 : vector<8192x32xf32>
      %swap3A_154 = arith.constant 0 : index
      %swap3A_155 = arith.constant 0 : index
      %swap3A_156 = vector.load %arg5[%swap3A_154, %swap3A_155] : memref<8192x32xf32, #tpu.memory_space<vmem>>, vector<8192x32xf32>
      tpu.vector_store %arg5[%swap3A_154, %swap3A_155], %add3A_153 {strides = array<i32>} : memref<8192x32xf32, #tpu.memory_space<vmem>>, vector<8192x32xf32>,
      %transpose3A_157 = tpu.transpose %get3A_152, [1, 0] : vector<8192x32xf32> -> vector<32x8192xf32>
      %mul3A_158 = arith.mulf %transpose3A_157, %transpose3A_157 : vector<32x8192xf32>
      %slice3A_159 = vector.extract_strided_slice %mul3A_158 {offsets = [8, 0], sizes = [8, 8192], strides = [1, 1]} : vector<32x8192xf32> to vector<8x8192xf32>
      %slice3A_160 = vector.extract_strided_slice %mul3A_158 {offsets = [0, 0], sizes = [8, 8192], strides = [1, 1]} : vector<32x8192xf32> to vector<8x8192xf32>
      %add3A_161 = arith.addf %slice3A_159, %slice3A_160 : vector<8x8192xf32>
      %slice3A_162 = vector.extract_strided_slice %mul3A_158 {offsets = [16, 0], sizes = [8, 8192], strides = [1, 1]} : vector<32x8192xf32> to vector<8x8192xf32>
      %add3A_163 = arith.addf %add3A_161, %slice3A_162 : vector<8x8192xf32>
      %slice3A_164 = vector.extract_strided_slice %mul3A_158 {offsets = [24, 0], sizes = [8, 8192], strides = [1, 1]} : vector<32x8192xf32> to vector<8x8192xf32>
      %add3A_165 = arith.addf %add3A_163, %slice3A_164 : vector<8x8192xf32>
      %slice3A_166 = vector.extract_strided_slice %add3A_165 {offsets = [4, 0], sizes = [4, 8192], strides = [1, 1]} : vector<8x8192xf32> to vector<4x8192xf32>
      %slice3A_167 = vector.extract_strided_slice %add3A_165 {offsets = [0, 0], sizes = [4, 8192], strides = [1, 1]} : vector<8x8192xf32> to vector<4x8192xf32>
      %add3A_168 = arith.addf %slice3A_166, %slice3A_167 : vector<4x8192xf32>
      %slice3A_169 = vector.extract_strided_slice %add3A_168 {offsets = [2, 0], sizes = [2, 8192], strides = [1, 1]} : vector<4x8192xf32> to vector<2x8192xf32>
      %slice3A_170 = vector.extract_strided_slice %add3A_168 {offsets = [0, 0], sizes = [2, 8192], strides = [1, 1]} : vector<4x8192xf32> to vector<2x8192xf32>
      %add3A_171 = arith.addf %slice3A_169, %slice3A_170 : vector<2x8192xf32>
      %slice3A_172 = vector.extract_strided_slice %add3A_171 {offsets = [1, 0], sizes = [1, 8192], strides = [1, 1]} : vector<2x8192xf32> to vector<1x8192xf32>
      %slice3A_173 = vector.extract_strided_slice %add3A_171 {offsets = [0, 0], sizes = [1, 8192], strides = [1, 1]} : vector<2x8192xf32> to vector<1x8192xf32>
      %add3A_174 = arith.addf %slice3A_172, %slice3A_173 : vector<1x8192xf32>
      %transpose3A_175 = tpu.transpose %add3A_174, [1, 0] : vector<1x8192xf32> -> vector<8192x1xf32>
      %swap3A_176 = arith.constant 0 : index
      %swap3A_177 = arith.constant 0 : index
      %swap3A_178 = vector.load %arg6[%swap3A_176, %swap3A_177] : memref<8192x1xf32, #tpu.memory_space<vmem>>, vector<8192x1xf32>
      tpu.vector_store %arg6[%swap3A_176, %swap3A_177], %transpose3A_175 {strides = array<i32>} : memref<8192x1xf32, #tpu.memory_space<vmem>>, vector<8192x1xf32>,
      %swap3A_179 = arith.constant 0.000000e+00 : f32
      %swap3A_180 = arith.constant 0 : index
      %swap3A_181 = memref.load %arg4[%swap3A_180] : memref<1xf32, #tpu.memory_space<smem>>
      memref.store %swap3A_179, %arg4[%swap3A_180] : memref<1xf32, #tpu.memory_space<smem>>
    } else {
    }
    %get3A = arith.constant 0 : index
    %get3A_2 = arith.constant 0 : index
    %get3A_3 = vector.load %arg1[%get3A, %get3A_2] : memref<2048x32xf32, #tpu.memory_space<vmem>>, vector<2048x32xf32>
    %transpose3A = tpu.transpose %get3A_3, [1, 0] : vector<2048x32xf32> -> vector<32x2048xf32>
    %mul3A = arith.mulf %transpose3A, %transpose3A : vector<32x2048xf32>
    %slice3A = vector.extract_strided_slice %mul3A {offsets = [8, 0], sizes = [8, 2048], strides = [1, 1]} : vector<32x2048xf32> to vector<8x2048xf32>
    %slice3A_4 = vector.extract_strided_slice %mul3A {offsets = [0, 0], sizes = [8, 2048], strides = [1, 1]} : vector<32x2048xf32> to vector<8x2048xf32>
    %add3A = arith.addf %slice3A, %slice3A_4 : vector<8x2048xf32>
    %slice3A_5 = vector.extract_strided_slice %mul3A {offsets = [16, 0], sizes = [8, 2048], strides = [1, 1]} : vector<32x2048xf32> to vector<8x2048xf32>
    %add3A_6 = arith.addf %add3A, %slice3A_5 : vector<8x2048xf32>
    %slice3A_7 = vector.extract_strided_slice %mul3A {offsets = [24, 0], sizes = [8, 2048], strides = [1, 1]} : vector<32x2048xf32> to vector<8x2048xf32>
    %add3A_8 = arith.addf %add3A_6, %slice3A_7 : vector<8x2048xf32>
    %slice3A_9 = vector.extract_strided_slice %add3A_8 {offsets = [4, 0], sizes = [4, 2048], strides = [1, 1]} : vector<8x2048xf32> to vector<4x2048xf32>
    %slice3A_10 = vector.extract_strided_slice %add3A_8 {offsets = [0, 0], sizes = [4, 2048], strides = [1, 1]} : vector<8x2048xf32> to vector<4x2048xf32>
    %add3A_11 = arith.addf %slice3A_9, %slice3A_10 : vector<4x2048xf32>
    %slice3A_12 = vector.extract_strided_slice %add3A_11 {offsets = [2, 0], sizes = [2, 2048], strides = [1, 1]} : vector<4x2048xf32> to vector<2x2048xf32>
    %slice3A_13 = vector.extract_strided_slice %add3A_11 {offsets = [0, 0], sizes = [2, 2048], strides = [1, 1]} : vector<4x2048xf32> to vector<2x2048xf32>
    %add3A_14 = arith.addf %slice3A_12, %slice3A_13 : vector<2x2048xf32>
    %slice3A_15 = vector.extract_strided_slice %add3A_14 {offsets = [1, 0], sizes = [1, 2048], strides = [1, 1]} : vector<2x2048xf32> to vector<1x2048xf32>
    %slice3A_16 = vector.extract_strided_slice %add3A_14 {offsets = [0, 0], sizes = [1, 2048], strides = [1, 1]} : vector<2x2048xf32> to vector<1x2048xf32>
    %add3A_17 = arith.addf %slice3A_15, %slice3A_16 : vector<1x2048xf32>
    %get3A_18 = arith.constant 0 : index
    %get3A_19 = arith.constant 0 : index
    %get3A_20 = vector.load %arg5[%get3A_18, %get3A_19] : memref<8192x32xf32, #tpu.memory_space<vmem>>, vector<2048x32xf32>
    %get3A_21 = arith.constant 0 : index
    %get3A_22 = arith.constant 0 : index
    %get3A_23 = vector.load %arg6[%get3A_21, %get3A_22] : memref<8192x1xf32, #tpu.memory_space<vmem>>, vector<2048x1xf32>
    %dot_general3A = arith.constant dense<0.000000e+00> : vector<2048x2048xf32>
    %dot_general3A_24 = tpu.matmul %get3A_20, %transpose3A, %dot_general3A {dimension_numbers = #tpu.dot_dimension_numbers<[1], [0], [0], [1], [0, 0, 1, 1], [], []>, transpose_lhs_hint = false} : vector<2048x32xf32>, vector<32x2048xf32>, vector<2048x2048xf32> -> vector<2048x2048xf32>
    %sub3A = vector.broadcast %add3A_17 : vector<1x2048xf32> to vector<2048x2048xf32>
    %sub3A_25 = arith.subf %sub3A, %dot_general3A_24 : vector<2048x2048xf32>
    %add3A_26 = vector.broadcast %get3A_23 : vector<2048x1xf32> to vector<2048x2048xf32>
    %add3A_27 = arith.addf %sub3A_25, %add3A_26 : vector<2048x2048xf32>
    %reduce_min3A = arith.constant dense<0x7F800000> : vector<2048xf32>
    %reduce_min3A_28 = vector.multi_reduction <minimumf>, %add3A_27, %reduce_min3A [0] : vector<2048x2048xf32> to vector<2048xf32>
    %iota3A = tpu.iota {dimensions = array<i32: 0>} : vector<2048x2048xi32>
    %broadcast_in_dim3A = vector.shape_cast %reduce_min3A_28 : vector<2048xf32> to vector<1x2048xf32>
    %eq3A_29 = vector.broadcast %broadcast_in_dim3A : vector<1x2048xf32> to vector<2048x2048xf32>
    %eq3A_30 = arith.cmpf oeq, %add3A_27, %eq3A_29 : vector<2048x2048xf32>
    %jit3A = arith.constant 2048 : i32
    %broadcast_in_dim3A_31 = vector.broadcast %jit3A : i32 to vector<2048x2048xi32>
    %select_n3A = arith.select %eq3A_30, %iota3A, %broadcast_in_dim3A_31 : vector<2048x2048xi1>, vector<2048x2048xi32>
    %reduce_min3A_32 = arith.constant dense<2147483647> : vector<2048xi32>
    %reduce_min3A_33 = vector.multi_reduction <minsi>, %select_n3A, %reduce_min3A_32 [0] : vector<2048x2048xi32> to vector<2048xi32>
    %add3A_34 = arith.constant 0 : i32
    %add3A_35 = vector.broadcast %add3A_34 : i32 to vector<2048xi32>
    %add3A_36 = arith.addi %reduce_min3A_33, %add3A_35 : vector<2048xi32>
    %convert_element_type3A_37 = arith.truncf %reduce_min3A_28 : vector<2048xf32> to vector<2048xbf16>
    %convert_element_type3A_38 = arith.extf %convert_element_type3A_37 : vector<2048xbf16> to vector<2048xf32>
    %get3A_39 = arith.constant 2048 : index
    %get3A_40 = arith.constant 0 : index
    %get3A_41 = vector.load %arg5[%get3A_39, %get3A_40] : memref<8192x32xf32, #tpu.memory_space<vmem>>, vector<2048x32xf32>
    %get3A_42 = arith.constant 2048 : index
    %get3A_43 = arith.constant 0 : index
    %get3A_44 = vector.load %arg6[%get3A_42, %get3A_43] : memref<8192x1xf32, #tpu.memory_space<vmem>>, vector<2048x1xf32>
    %dot_general3A_45 = arith.constant dense<0.000000e+00> : vector<2048x2048xf32>
    %dot_general3A_46 = tpu.matmul %get3A_41, %transpose3A, %dot_general3A_45 {dimension_numbers = #tpu.dot_dimension_numbers<[1], [0], [0], [1], [0, 0, 1, 1], [], []>, transpose_lhs_hint = false} : vector<2048x32xf32>, vector<32x2048xf32>, vector<2048x2048xf32> -> vector<2048x2048xf32>
    %sub3A_47 = vector.broadcast %add3A_17 : vector<1x2048xf32> to vector<2048x2048xf32>
    %sub3A_48 = arith.subf %sub3A_47, %dot_general3A_46 : vector<2048x2048xf32>
    %add3A_49 = vector.broadcast %get3A_44 : vector<2048x1xf32> to vector<2048x2048xf32>
    %add3A_50 = arith.addf %sub3A_48, %add3A_49 : vector<2048x2048xf32>
    %reduce_min3A_51 = arith.constant dense<0x7F800000> : vector<2048xf32>
    %reduce_min3A_52 = vector.multi_reduction <minimumf>, %add3A_50, %reduce_min3A_51 [0] : vector<2048x2048xf32> to vector<2048xf32>
    %iota3A_53 = tpu.iota {dimensions = array<i32: 0>} : vector<2048x2048xi32>
    %broadcast_in_dim3A_54 = vector.shape_cast %reduce_min3A_52 : vector<2048xf32> to vector<1x2048xf32>
    %eq3A_55 = vector.broadcast %broadcast_in_dim3A_54 : vector<1x2048xf32> to vector<2048x2048xf32>
    %eq3A_56 = arith.cmpf oeq, %add3A_50, %eq3A_55 : vector<2048x2048xf32>
    %jit3A_57 = arith.constant 2048 : i32
    %broadcast_in_dim3A_58 = vector.broadcast %jit3A_57 : i32 to vector<2048x2048xi32>
    %select_n3A_59 = arith.select %eq3A_56, %iota3A_53, %broadcast_in_dim3A_58 : vector<2048x2048xi1>, vector<2048x2048xi32>
    %reduce_min3A_60 = arith.constant dense<2147483647> : vector<2048xi32>
    %reduce_min3A_61 = vector.multi_reduction <minsi>, %select_n3A_59, %reduce_min3A_60 [0] : vector<2048x2048xi32> to vector<2048xi32>
    %add3A_62 = arith.constant 2048 : i32
    %add3A_63 = vector.broadcast %add3A_62 : i32 to vector<2048xi32>
    %add3A_64 = arith.addi %reduce_min3A_61, %add3A_63 : vector<2048xi32>
    %convert_element_type3A_65 = arith.truncf %reduce_min3A_52 : vector<2048xf32> to vector<2048xbf16>
    %convert_element_type3A_66 = arith.extf %convert_element_type3A_65 : vector<2048xbf16> to vector<2048xf32>
    %lt3A = arith.cmpf olt, %reduce_min3A_52, %convert_element_type3A_38 : vector<2048xf32>
    %eq3A_67 = arith.cmpf oeq, %reduce_min3A_52, %convert_element_type3A_38 : vector<2048xf32>
    %lt3A_68 = arith.cmpi slt, %add3A_64, %add3A_36 : vector<2048xi32>
    %and3A = arith.andi %eq3A_67, %lt3A_68 : vector<2048xi1>
    %or3A = arith.ori %lt3A, %and3A : vector<2048xi1>
    %select_n3A_69 = arith.select %or3A, %convert_element_type3A_66, %convert_element_type3A_38 : vector<2048xi1>, vector<2048xf32>
    %select_n3A_70 = arith.select %or3A, %add3A_64, %add3A_36 : vector<2048xi1>, vector<2048xi32>
    %min3A = arith.minimumf %reduce_min3A_28, %reduce_min3A_52 : vector<2048xf32>
    %get3A_71 = arith.constant 4096 : index
    %get3A_72 = arith.constant 0 : index
    %get3A_73 = vector.load %arg5[%get3A_71, %get3A_72] : memref<8192x32xf32, #tpu.memory_space<vmem>>, vector<2048x32xf32>
    %get3A_74 = arith.constant 4096 : index
    %get3A_75 = arith.constant 0 : index
    %get3A_76 = vector.load %arg6[%get3A_74, %get3A_75] : memref<8192x1xf32, #tpu.memory_space<vmem>>, vector<2048x1xf32>
    %dot_general3A_77 = arith.constant dense<0.000000e+00> : vector<2048x2048xf32>
    %dot_general3A_78 = tpu.matmul %get3A_73, %transpose3A, %dot_general3A_77 {dimension_numbers = #tpu.dot_dimension_numbers<[1], [0], [0], [1], [0, 0, 1, 1], [], []>, transpose_lhs_hint = false} : vector<2048x32xf32>, vector<32x2048xf32>, vector<2048x2048xf32> -> vector<2048x2048xf32>
    %sub3A_79 = vector.broadcast %add3A_17 : vector<1x2048xf32> to vector<2048x2048xf32>
    %sub3A_80 = arith.subf %sub3A_79, %dot_general3A_78 : vector<2048x2048xf32>
    %add3A_81 = vector.broadcast %get3A_76 : vector<2048x1xf32> to vector<2048x2048xf32>
    %add3A_82 = arith.addf %sub3A_80, %add3A_81 : vector<2048x2048xf32>
    %reduce_min3A_83 = arith.constant dense<0x7F800000> : vector<2048xf32>
    %reduce_min3A_84 = vector.multi_reduction <minimumf>, %add3A_82, %reduce_min3A_83 [0] : vector<2048x2048xf32> to vector<2048xf32>
    %iota3A_85 = tpu.iota {dimensions = array<i32: 0>} : vector<2048x2048xi32>
    %broadcast_in_dim3A_86 = vector.shape_cast %reduce_min3A_84 : vector<2048xf32> to vector<1x2048xf32>
    %eq3A_87 = vector.broadcast %broadcast_in_dim3A_86 : vector<1x2048xf32> to vector<2048x2048xf32>
    %eq3A_88 = arith.cmpf oeq, %add3A_82, %eq3A_87 : vector<2048x2048xf32>
    %jit3A_89 = arith.constant 2048 : i32
    %broadcast_in_dim3A_90 = vector.broadcast %jit3A_89 : i32 to vector<2048x2048xi32>
    %select_n3A_91 = arith.select %eq3A_88, %iota3A_85, %broadcast_in_dim3A_90 : vector<2048x2048xi1>, vector<2048x2048xi32>
    %reduce_min3A_92 = arith.constant dense<2147483647> : vector<2048xi32>
    %reduce_min3A_93 = vector.multi_reduction <minsi>, %select_n3A_91, %reduce_min3A_92 [0] : vector<2048x2048xi32> to vector<2048xi32>
    %add3A_94 = arith.constant 4096 : i32
    %add3A_95 = vector.broadcast %add3A_94 : i32 to vector<2048xi32>
    %add3A_96 = arith.addi %reduce_min3A_93, %add3A_95 : vector<2048xi32>
    %convert_element_type3A_97 = arith.truncf %reduce_min3A_84 : vector<2048xf32> to vector<2048xbf16>
    %convert_element_type3A_98 = arith.extf %convert_element_type3A_97 : vector<2048xbf16> to vector<2048xf32>
    %lt3A_99 = arith.cmpf olt, %reduce_min3A_84, %select_n3A_69 : vector<2048xf32>
    %eq3A_100 = arith.cmpf oeq, %reduce_min3A_84, %select_n3A_69 : vector<2048xf32>
    %lt3A_101 = arith.cmpi slt, %add3A_96, %select_n3A_70 : vector<2048xi32>
    %and3A_102 = arith.andi %eq3A_100, %lt3A_101 : vector<2048xi1>
    %or3A_103 = arith.ori %lt3A_99, %and3A_102 : vector<2048xi1>
    %select_n3A_104 = arith.select %or3A_103, %convert_element_type3A_98, %select_n3A_69 : vector<2048xi1>, vector<2048xf32>
    %select_n3A_105 = arith.select %or3A_103, %add3A_96, %select_n3A_70 : vector<2048xi1>, vector<2048xi32>
    %min3A_106 = arith.minimumf %min3A, %reduce_min3A_84 : vector<2048xf32>
    %get3A_107 = arith.constant 6144 : index
    %get3A_108 = arith.constant 0 : index
    %get3A_109 = vector.load %arg5[%get3A_107, %get3A_108] : memref<8192x32xf32, #tpu.memory_space<vmem>>, vector<2048x32xf32>
    %get3A_110 = arith.constant 6144 : index
    %get3A_111 = arith.constant 0 : index
    %get3A_112 = vector.load %arg6[%get3A_110, %get3A_111] : memref<8192x1xf32, #tpu.memory_space<vmem>>, vector<2048x1xf32>
    %dot_general3A_113 = arith.constant dense<0.000000e+00> : vector<2048x2048xf32>
    %dot_general3A_114 = tpu.matmul %get3A_109, %transpose3A, %dot_general3A_113 {dimension_numbers = #tpu.dot_dimension_numbers<[1], [0], [0], [1], [0, 0, 1, 1], [], []>, transpose_lhs_hint = false} : vector<2048x32xf32>, vector<32x2048xf32>, vector<2048x2048xf32> -> vector<2048x2048xf32>
    %sub3A_115 = vector.broadcast %add3A_17 : vector<1x2048xf32> to vector<2048x2048xf32>
    %sub3A_116 = arith.subf %sub3A_115, %dot_general3A_114 : vector<2048x2048xf32>
    %add3A_117 = vector.broadcast %get3A_112 : vector<2048x1xf32> to vector<2048x2048xf32>
    %add3A_118 = arith.addf %sub3A_116, %add3A_117 : vector<2048x2048xf32>
    %reduce_min3A_119 = arith.constant dense<0x7F800000> : vector<2048xf32>
    %reduce_min3A_120 = vector.multi_reduction <minimumf>, %add3A_118, %reduce_min3A_119 [0] : vector<2048x2048xf32> to vector<2048xf32>
    %iota3A_121 = tpu.iota {dimensions = array<i32: 0>} : vector<2048x2048xi32>
    %broadcast_in_dim3A_122 = vector.shape_cast %reduce_min3A_120 : vector<2048xf32> to vector<1x2048xf32>
    %eq3A_123 = vector.broadcast %broadcast_in_dim3A_122 : vector<1x2048xf32> to vector<2048x2048xf32>
    %eq3A_124 = arith.cmpf oeq, %add3A_118, %eq3A_123 : vector<2048x2048xf32>
    %jit3A_125 = arith.constant 2048 : i32
    %broadcast_in_dim3A_126 = vector.broadcast %jit3A_125 : i32 to vector<2048x2048xi32>
    %select_n3A_127 = arith.select %eq3A_124, %iota3A_121, %broadcast_in_dim3A_126 : vector<2048x2048xi1>, vector<2048x2048xi32>
    %reduce_min3A_128 = arith.constant dense<2147483647> : vector<2048xi32>
    %reduce_min3A_129 = vector.multi_reduction <minsi>, %select_n3A_127, %reduce_min3A_128 [0] : vector<2048x2048xi32> to vector<2048xi32>
    %add3A_130 = arith.constant 6144 : i32
    %add3A_131 = vector.broadcast %add3A_130 : i32 to vector<2048xi32>
    %add3A_132 = arith.addi %reduce_min3A_129, %add3A_131 : vector<2048xi32>
    %lt3A_133 = arith.cmpf olt, %reduce_min3A_120, %select_n3A_104 : vector<2048xf32>
    %eq3A_134 = arith.cmpf oeq, %reduce_min3A_120, %select_n3A_104 : vector<2048xf32>
    %lt3A_135 = arith.cmpi slt, %add3A_132, %select_n3A_105 : vector<2048xi32>
    %and3A_136 = arith.andi %eq3A_134, %lt3A_135 : vector<2048xi1>
    %or3A_137 = arith.ori %lt3A_133, %and3A_136 : vector<2048xi1>
    %select_n3A_138 = arith.select %or3A_137, %add3A_132, %select_n3A_105 : vector<2048xi1>, vector<2048xi32>
    %min3A_139 = arith.minimumf %min3A_106, %reduce_min3A_120 : vector<2048xf32>
    %swap3A = arith.constant 0 : index
    %swap3A_140 = vector.load %arg3[%swap3A] : memref<2048xi32, #tpu.memory_space<vmem>>, vector<2048xi32>
    tpu.vector_store %arg3[%swap3A], %select_n3A_138 {strides = array<i32>} : memref<2048xi32, #tpu.memory_space<vmem>>, vector<2048xi32>,
    %get3A_141 = arith.constant 0 : index
    %get3A_142 = memref.load %arg4[%get3A_141] : memref<1xf32, #tpu.memory_space<smem>>
    %reduce_sum3A = vector.shape_cast %min3A_139 : vector<2048xf32> to vector<1x2048xf32>
    %reduce_sum3A_143 = arith.constant dense<0.000000e+00> : vector<1xf32>
    %reduce_sum3A_144 = vector.multi_reduction <add>, %reduce_sum3A, %reduce_sum3A_143 [1] : vector<1x2048xf32> to vector<1xf32>
    %reduce_sum3A_145 = vector.shape_cast %reduce_sum3A_144 : vector<1xf32> to vector<1x1xf32>
    %reduce_sum3A_146 = vector.extract %reduce_sum3A_145[0, 0] : f32 from vector<1x1xf32>
    %add3A_147 = arith.addf %get3A_142, %reduce_sum3A_146 : f32
    %swap3A_148 = arith.constant 0 : index
    %swap3A_149 = memref.load %arg4[%swap3A_148] : memref<1xf32, #tpu.memory_space<smem>>
    memref.store %add3A_147, %arg4[%swap3A_148] : memref<1xf32, #tpu.memory_space<smem>>
    return
  }
  func.func @transform_0(%arg0: i32) -> (i32, i32) {
    %c0_i32 = arith.constant 0 : i32
    %c0_i32_0 = arith.constant 0 : i32
    return %arg0, %c0_i32 : i32, i32
  }
  func.func @transform_1(%arg0: i32) -> (i32, i32) {
    %c0_i32 = arith.constant 0 : i32
    %c0_i32_0 = arith.constant 0 : i32
    %c0_i32_1 = arith.constant 0 : i32
    return %c0_i32, %c0_i32_0 : i32, i32
  }
  func.func @transform_2(%arg0: i32) -> i32 {
    %c0_i32 = arith.constant 0 : i32
    return %arg0 : i32
  }
  func.func @transform_3(%arg0: i32) -> i32 {
    %c0_i32 = arith.constant 0 : i32
    %c0_i32_0 = arith.constant 0 : i32
    return %c0_i32 : i32
  }
}

</mosaic_0001>

<sc_bundles>
// kernel: kernel.4.cloned.1.call-start
scs
__scs_entry_jumppad:
0x0: {  	(pc) =	sbr.rel $0x88, $3  }
0x1: {  	(tag) =	ssettag $0x0;
	lr =	simm.s32 $0x1  }
0x2: {  	[smem:$0x3F9F] =	sst lr;
	_ =	strace $0xD0000000  }
0x3: {  	_ = 	snop  }
0x4: {  	_ = 	snop  }
0x5: {  	_ = 	snop  }
0x6: {  	_ = 	snop  }
0x7: {  	_ = 	snop  }
__scs_overlays_trampoline_lowered:
0x8: {  	[smem:$0x3FAE] =	sst s0  }
0x9: {  	[smem:$0x3FAF] =	sst s1  }
0xa: {  	[smem:$0x3FB0] =	sst s2  }
0xb: {  	[smem:$0x3FB1] =	sst s3  }
0xc: {  	[smem:$0x3FB2] =	sst s4  }
0xd: {  	[smem:$0x3FB3] =	sst s5  }
0xe: {  	[smem:$0x3FB4] =	sst s6  }
0xf: {  	[smem:$0x3FB5] =	sst s7  }
0x10: {  	[smem:$0x3FB6] =	sst s8  }
0x11: {  	[smem:$0x3FB7] =	sst s9;
	s0 =	simm.s32 @!p0 $0x0  }
0x12: {  	s1 =	sld [smem:$0x3F9D];
	s0 =	simm.s32 @p0 $0x1  }
0x13: {  	[smem:$0x3FB8] =	sst s0;
	s0 =	simm.s32 @!p1 $0x0  }
0x14: {  	s2 =	sld [smem:$0x3F9C];
	s0 =	simm.s32 @p1 $0x1  }
0x15: {  	[smem:$0x3FB9] =	sst s0;
	s0 =	simm.s32 @!p2 $0x0  }
0x16: {  	s3 =	sld [smem:$0x3FDB];
	s0 =	simm.s32 @p2 $0x1  }
0x17: {  	s4 =	simm.s32 $0x1BF5;
	[smem:$0x3FBB] =	sst s0  }
0x18: {  	s0 =	sld [smem:$0x3F9E];
	_ =	swait.ge [sflag:s4], $0x0  }
0x19: {  	s7 =	sld [smem:$0x3F9F]  }
0x1a: {  	s8 =	sadd.s32 $0xFFFFE003, lr  }
0x1b: {  	s9 =	sadd.s32 $0xFFFFFEF7, lr;
	s5 =	simm.s32 $0xFFFFFFFF;
	p2 =	slt.u32 s8, $0xFFFFF086  }
0x1c: {  	p1 =	slt.u32 s9, $0xF7A;
	s5 =	simm.s32 @!p2 $0x0  }
0x1d: {  	s5 =	simm.s32 @p1 $0x1;
	p0 =	seq.s32 s7, s2  }
0x1e: {  	s7 =	smul.u32 @!p0 $0xF7A, s2;
	p2 =	seq.s32 @!p0 s5, $0x0  }
0x1f: {  	s9 =	smul.u32 $0xF7A, s1;
	s8 =	simm.s32 @!p0 $0x1BF5;
	p2 =	por !p2, p0  }
0x20: {  	[sflag:s8] =	ssyncset.s32 @!p0 $0xFFFFF086;
	s6 =	sadd.s32 @!p0 s3, s7;
	s7 =	simm.s32 @!p0 $0x108  }
0x21: {  	s3 =	sadd.s32 s3, s9;
	s6 =	sadd.s32 @!p0 $0x88, s6;
	s7 =	simm.s32 @p2 $0x1082  }
0x22: {  	[simem:s7], [sflag:s8] =	dma.local @!p0 [hbm:s6], $0xF7A  }
0x23: {  	s9 =	sor.u32 $0xD0000000, s2;
	s6 =	simm.s32 $0x108;
	_ =	swait.ge @!p0 [sflag:s8], $0x0  }
0x24: {  	s3 =	sadd.s32 $0x88, s3;
	s6 =	simm.s32 @!p1 $0x1082;
	[sflag:s4] =	ssyncset.s32 $0xFFFFF086  }
0x25: {  	[simem:s6], [sflag:s4] =	dma.local [hbm:s3], $0xF7A  }
0x26: {  	[smem:$0x3F9F] =	sst s1;
	(tag) =	ssettag s2;
	_ =	strace s9  }
0x27: {  	s1 =	sld [smem:$0x3FAF]  }
0x28: {  	s2 =	sld [smem:$0x3FB0]  }
0x29: {  	s4 =	sld [smem:$0x3FB2]  }
0x2a: {  	p0 =	seq.s32 s5, $0x0;
	s5 =	sld [smem:$0x3FB3]  }
0x2b: {  	s6 =	sld [smem:$0x3FB4]  }
0x2c: {  	s7 =	sld [smem:$0x3FB5]  }
0x2d: {  	s3 =	simm.s32 $0x108;
	s8 =	sld [smem:$0x3FB6]  }
0x2e: {  	s3 =	simm.s32 @!p0 $0x1082;
	s9 =	sld [smem:$0x3FB7]  }
0x2f: {  	lr =	sadd.s32 s0, s3;
	s0 =	sld [smem:$0x3FAE]  }
0x30: {  	s3 =	sld [smem:$0x3FB1]  }
0x31: {  	[smem:$0x3FBA] =	sst s10  }
0x32: {  	s10 =	sld [smem:$0x3FB8];
	_ =	sdelay $0x3  }
0x33: {  	p0 =	seq.s32 s10, $0x1;
	s10 =	sld [smem:$0x3FBA];
	_ =	sdelay $0x3  }
0x34: {  	[smem:$0x3FBA] =	sst s10  }
0x35: {  	s10 =	sld [smem:$0x3FB9];
	_ =	sdelay $0x3  }
0x36: {  	p1 =	seq.s32 s10, $0x1;
	s10 =	sld [smem:$0x3FBA];
	_ =	sdelay $0x3  }
0x37: {  	[smem:$0x3FBA] =	sst s10  }
0x38: {  	s10 =	sld [smem:$0x3FBB]  }
0x39: {  	_ = 	snop;
	(pc) =	sbr.ind lr, $3  }
0x3a: {  	_ = 	snop  }
0x3b: {  	_ = 	snop  }
0x3c: {  	p2 =	seq.s32 s10, $0x1;
	s10 =	sld [smem:$0x3FBA]  }
0x3d: {  	_ =	shalt  }
0x3e: {  	_ =	shalt  }
0x3f: {  	_ =	shalt  }
0x40: {  	_ =	shalt  }
0x41: {  	_ =	shalt  }
0x42: {  	_ =	shalt  }
0x43: {  	_ =	shalt  }
0x44: {  	_ =	shalt  }
0x45: {  	_ =	shalt  }
0x46: {  	_ =	shalt  }
0x47: {  	_ =	shalt  }
0x48: {  	_ =	shalt  }
0x49: {  	_ =	shalt  }
0x4a: {  	_ =	shalt  }
0x4b: {  	_ =	shalt  }
0x4c: {  	_ =	shalt  }
0x4d: {  	_ =	shalt  }
0x4e: {  	_ =	shalt  }
0x4f: {  	_ =	shalt  }
0x50: {  	_ =	shalt  }
0x51: {  	_ =	shalt  }
0x52: {  	_ =	shalt  }
0x53: {  	_ =	shalt  }
0x54: {  	_ =	shalt  }
0x55: {  	_ =	shalt  }
0x56: {  	_ =	shalt  }
0x57: {  	_ =	shalt  }
0x58: {  	_ =	shalt  }
0x59: {  	_ =	shalt  }
0x5a: {  	_ =	shalt  }
0x5b: {  	_ =	shalt  }
0x5c: {  	_ =	shalt  }
0x5d: {  	_ =	shalt  }
0x5e: {  	_ =	shalt  }
0x5f: {  	_ =	shalt  }
0x60: {  	_ =	shalt  }
0x61: {  	_ =	shalt  }
0x62: {  	_ =	shalt  }
0x63: {  	_ =	shalt  }
0x64: {  	_ =	shalt  }
0x65: {  	_ =	shalt  }
0x66: {  	_ =	shalt  }
0x67: {  	_ =	shalt  }
0x68: {  	_ =	shalt  }
0x69: {  	_ =	shalt  }
0x6a: {  	_ =	shalt  }
0x6b: {  	_ =	shalt  }
0x6c: {  	_ =	shalt  }
0x6d: {  	_ =	shalt  }
0x6e: {  	_ =	shalt  }
0x6f: {  	_ =	shalt  }
0x70: {  	_ =	shalt  }
0x71: {  	_ =	shalt  }
0x72: {  	_ =	shalt  }
0x73: {  	_ =	shalt  }
0x74: {  	_ =	shalt  }
0x75: {  	_ =	shalt  }
0x76: {  	_ =	shalt  }
0x77: {  	_ =	shalt  }
0x78: {  	_ =	shalt  }
0x79: {  	_ =	shalt  }
0x7a: {  	_ =	shalt  }
0x7b: {  	_ =	shalt  }
0x7c: {  	_ =	shalt  }
0x7d: {  	_ =	shalt  }
0x7e: {  	_ =	shalt  }
0x7f: {  	_ =	shalt  }
0x80: {  	_ =	shalt  }
0x81: {  	_ =	shalt  }
0x82: {  	_ =	shalt  }
0x83: {  	_ =	shalt  }
0x84: {  	_ =	shalt  }
0x85: {  	_ =	shalt  }
0x86: {  	_ =	shalt  }
0x87: {  	_ =	shalt  }
.Lfunc_end0:
.L_simem_size_0:
called_computation_lowered:
.L_overlay_start_0:
0x88: {  	s2 =	sld [smem:$0x3FD9]  }
0x89: {  	s3 =	sld [smem:$0x3FFE];
	_ =	sdelay $0x1  }
0x8a: {  	s1 =	srdreg.scid  }
0x8b: {  	s0 =	sand.u32 $0x1, s1  }
0x8c: {  	s14 =	sshll.u32 s0, $0xA;
	s2 =	sadd.s32 s3, s2  }
0x8d: {  	s2 =	sadd.s32 s2, s14  }
0x8e: {  	[smem:$0x3FC6] =	sst s2  }
0x8f: {  	_ = 	snop  }
0x90: {  	s2 =	sld [smem:$0x3FD0];
	_ =	sdelay $0x2  }
0x91: {  	s15 =	simm.s32 $0xA;
	s4 =	simm.s32 $0x10  }
0x92: {  	[smem:s4], [sflag:s15] =	dma.local [hbm:s2], $0x1  }
0x93: {  	_ =	swait.eq [sflag:s15], $0x1  }
0x94: {  	[sflag:s15] =	ssyncset.done $0x0  }
0x95: {  	s16 =	sld [smem:$0x10];
	[sflag:s15] =	ssyncadd.s32 $0xFFFFFFFF  }
0x96: {  	s17 =	sld [smem:$0x11];
	(tm) =	ssettm $0x1  }
0x97: {  	s18 =	sld [smem:$0x3FFB];
	_ =	sdelay $0x3  }
0x98: {  	_ =	strace s18  }
0x99: {  	s4 =	sld [smem:$0x3FFC];
	_ =	sdelay $0x3  }
0x9a: {  	_ =	strace s4  }
0x9b: {  	s4 =	sld [smem:$0x3FFD];
	_ =	sdelay $0x3  }
0x9c: {  	_ =	strace s4  }
0x9d: {  	_ =	strace $0x8FFFFFFF  }
0x9e: {  	s19 =	sld [smem:$0x3FDB];
	_ =	sdelay $0x1  }
0x9f: {  	s5 =	simm.s32 $_scs_section_size  }
0xa0: {  	s6 =	simm.s32 $_size__tile_overlayer_lowered;
	s7 =	simm.s32 $_tile_overlayer_lowered  }
0xa1: {  	s22 =	simm.s32 $0x1BFF;
	s21 =	sshll.u32 s7, $0x1;
	s4 =	sadd.s32 s5, s19  }
0xa2: {  	s8 =	simm.s32 $0x0;
	s20 =	sshll.u32 s6, $0x1;
	s6 =	sadd.s32 s21, s4  }
0xa3: {  	[timem:s8], [sflag:s22] =	dma.local [hbm:s6], s20  }
0xa4: {  	_ =	swait.ge [sflag:s22], s20  }
0xa5: {  	s5 =	ssub.s32 $0x0, s20;
	[sflag:s22] =	ssyncset.done $0x0  }
0xa6: {  	[sflag:s22] =	ssyncadd.s32 s5;
	_ =	sdelay $0x1  }
0xa7: {  	s23 =	simm.s32 $0x1B8B  }
0xa8: {  	_ =	swait.ge [sflag:s23], $0x1  }
0xa9: {  	[sflag:s23] =	ssyncset.done $0x0  }
0xaa: {  	s25 =	simm.s32 $0x1B8E;
	s24 =	sld [smem:$0x3FFE];
	[sflag:s23] =	ssyncadd.s32 $0xFFFFFFFF  }
0xab: {  	s26 =	simm.s32 $execute0_lowered;
	[smem:$0x3FD2] =	sst s25  }
0xac: {  	s6 =	sshll.u32 s26, $0x1;
	_ =	strace $0x80000046;
	[dreg:$0x1] =	wrdreg $0xFFFFFFFF  }
0xad: {  	s28 =	simm.s32 $_size_execute0_lowered;
	s4 =	sadd.s32 s4, s6;
	[dreg:$0x0] =	wrdreg $0x0  }
0xae: {  	s6 =	sshll.u32 s28, $0x1;
	[dreg:$0x2] =	wrdreg s4  }
0xaf: {  	[dreg:$0x3] =	wrdreg s6  }
0xb0: {  	[dreg:$0x4] =	wrdreg $0xC0  }
0xb1: {  	_ =	task [dreg:s8], $0x5FFFF  }
0xb2: {  	[dreg:$0x1] =	wrdreg $0xFFFFFFFF  }
0xb3: {  	[dreg:$0x0] =	wrdreg $0x60  }
0xb4: {  	[dreg:$0x2] =	wrdreg s16  }
0xb5: {  	[dreg:$0x3] =	wrdreg s17  }
0xb6: {  	[dreg:$0x4] =	wrdreg s24  }
0xb7: {  	[dreg:$0x5] =	wrdreg $0x9  }
0xb8: {  	_ =	task.clear_ibuf [dreg:s8], $0x6FFFF;
	_ =	strace $0x90000046  }
0xb9: {  	s29 =	simm.s32 $0x9;
	_ =	strace $0x80000048  }
0xba: {  	_ =	swait.ge [sflag:s29], $0x1  }
0xbb: {  	[sflag:s29] =	ssyncadd.s32 $0xFFFFFFFF  }
0xbc: {  	_ =	strace $0x90000048  }
0xbd: {  	_ =	sfence  }
0xbe: {  	s30 =	sld [smem:$0x0];
	_ =	sdelay $0x2  }
0xbf: {  	s31 =	sshll.u32 s1, $0xD;
	s1 =	sshrl.u32 s1, $0x2  }
0xc0: {  	s3 =	sand.u32 $0x4000, s31;
	s1 =	sadd.s32 s1, s30  }
0xc1: {  	s0 =	sor.u32 s3, s0;
	s1 =	sshll.u32 s1, $0x11  }
0xc2: {  	s0 =	sor.u32 s1, s0  }
0xc3: {  	s0 =	sadd.s32 $0x8F2B, s0  }
0xc4: {  	[sflag:s0] =	ssyncadd.remote.s32 $0x1  }
0xc5: {  	_ =	sfence.sel $0xFFFF  }
0xc6: {  	[dreg:$0x0] =	wrdreg $0xFFFFFFFF;
	(pc) =	sbr.abs _section_cstart, $3  }
0xc7: {  	[dreg:$0x1] =	wrdreg $0xFFFFFFFF  }
0xc8: {  	_ =	task.clear_ibuf [dreg:s8], $0x2FFFF;
	_ =	strace $0x9FFFFFFF  }
0xc9: {  	(tm) =	ssettm $0x7FFFFFFF  }
tec
execute0_lowered:
.L_overlay_start_1:
0x0: {  	(tag) =	ssettag $0x1  }
0x1: {  	s1 =	rddreg [dreg:$0x0];
	s2 =	srdreg.scid  }
0x2: {  	s4 =	rddreg [dreg:$0x1];
	s0 =	stileid.u32  }
0x3: {  	s8 =	rddreg [dreg:$0x2];
	s3 =	simm.s32 $0x0;
	s6 =	sand.u32 $0x1, s2  }
0x4: {  	s5 =	sshll.u32 s0, $0x9;
	s2 =	rddreg [dreg:$0x3];
	s7 =	sshll.u32 s6, $0x8  }
0x5: {  	[smem:$0x7FF] =	sst s3;
	s9 =	sor.u32 s7, s5  }
0x6: {  	_ =	strace $0x80000047;
	s10 =	ssub.s32 $0x2, s6;
	s5 =	sshrl.u32 s9, $0x3  }
0x7: {  	s6 =	simm.s32 $0x100;
	s5 =	sadd.s32 s4, s5;
	s4 =	simm.s32 $0x2  }
0x8: {  	[tilespmem:s3], [sflag:$0x2] =	stream.linear.gather [hbm4b:s5+s3], $0x100, $0x38;
	[tilespmem:$0x2100] =	vst v63  }
0x9: {  	s7 =	simm.s32 $0x1;
	s11 =	sshrl.u32 s10, $0x1;
	_ =	swait.ge [sflag:s4], $0x100  }
0xa: {  	s9 =	sshll.u32 s9, $0x2;
	s31 =	ssub.s32 s10, s11;
	[sflag:s4] =	ssyncset.done $0x0  }
0xb: {  	s8 =	sadd.s32 s9, s8;
	s9 =	smax.u32 s31, $0x1;
	[sflag:s4] =	ssyncadd.s32 $0xFFFFFF00  }
0xc: {  	[tilespmem:s6], [sflag:$0x1] =	stream.indirect.gather [hbm4b:s1+s6], $0x20, s3, s6, $0xb8;
	[tilespmem:$0x2100] =	vst v63  }
0xd: {  	p0 =	sne.s32 s9, $0x1;
	_ =	swait.ge [sflag:s7], $0x2000  }
.Ltmp0:
0xe: {  	[sflag:s7] =	ssyncset.done $0x0;
	(pc) =	sbr.rel @!p0 .LBB2_2-.Ltmp0, $4  }
0xf: {  	s8 =	sadd.s32 $0x800, s8;
	[sflag:s7] =	ssyncadd.s32 $0xFFFFE000  }
0x10: {  	[hbm4b:s8+s3] =	stream.linear.scatter [tilespmem:s6], [sflag:$0x2], $0x2000, $0x38;
	[tilespmem:$0x2100] =	vst v63  }
0x11: {  	_ =	swait.ge [sflag:s4], $0x2000  }
0x12: {  	s9 =	sadd.s32 $0xFFFFFFFF, s9;
	[sflag:s4] =	ssyncset.done $0x0  }
.LBB2_1:
0x13: {  	p0 =	sne.s32 s9, $0x1;
	s9 =	sadd.s32 $0xFFFFFFFF, s9;
	[sflag:s4] =	ssyncadd.s32 $0xFFFFE000  }
0x14: {  	[tilespmem:s3], [sflag:$0x2] =	stream.linear.gather [hbm4b:s5+s3], $0x100, $0x38;
	[tilespmem:$0x2100] =	vst v63  }
0x15: {  	_ =	swait.ge [sflag:s4], $0x100  }
0x16: {  	[sflag:s4] =	ssyncset.done $0x0  }
0x17: {  	[sflag:s4] =	ssyncadd.s32 $0xFFFFFF00  }
0x18: {  	[tilespmem:s6], [sflag:$0x1] =	stream.indirect.gather [hbm4b:s1+s6], $0x20, s3, s6, $0xb8;
	[tilespmem:$0x2100] =	vst v63  }
0x19: {  	_ =	swait.ge [sflag:s7], $0x2000  }
.Ltmp1:
0x1a: {  	[sflag:s7] =	ssyncset.done $0x0;
	(pc) =	sbr.rel @p0 .LBB2_1-.Ltmp1, $4  }
0x1b: {  	[sflag:s7] =	ssyncadd.s32 $0xFFFFE000  }
0x1c: {  	[hbm4b:s8+s3] =	stream.linear.scatter [tilespmem:s6], [sflag:$0x2], $0x2000, $0x38;
	[tilespmem:$0x2100] =	vst v63  }
0x1d: {  	_ =	swait.ge [sflag:s4], $0x2000  }
0x1e: {  	[sflag:s4] =	ssyncset.done $0x0  }
.LBB2_2:
0x1f: {  	[sflag:s4] =	ssyncadd.s32 $0xFFFFE000  }
0x20: {  	_ =	sfence.sel $0x180000  }
0x21: {  	[bflag:$0x0] =	sbarrier.arrive $0xFFFF  }
0x22: {  	p0 =	sne.s32 s0, $0x0;
	_ =	strace $0x90000047  }
0x23: {  	s0 =	sadd.s32 @!p0 $0x100000, s2;
	[bflag:$0x2] =	sbarrier.arrive $0xFFFF  }
0x24: {  	[sflag:s0] =	ssyncadd.tile.s32 @!p0 $0x1;
	_ =	shalt  }
.Lfunc_end2:
_tile_overlayer_lowered:
.L_overlay_start_2:
0x25: {  	(tag) =	ssettag $0x2  }
0x26: {  	s0 =	rddreg [dreg:$0x0];
	s2 =	stileid.u32  }
0x27: {  	s1 =	rddreg [dreg:$0x1];
	p0 =	sne.s32 s2, $0x0  }
0x28: {  	s3 =	rddreg [dreg:$0x2];
	[bflag:$0x3] =	sbarrier.arrive $0xFFFF;
	s2 =	simm.s32 @!p0 $0x1C02  }
0x29: {  	[timem:s3], [sflag:s2] =	dma.local @!p0 [hbm:s0], s1  }
0x2a: {  	s0 =	simm.s32 @!p0 $0x2  }
0x2b: {  	_ =	swait.ge @!p0 [sflag:s0], s1  }
0x2c: {  	s1 =	ssub.s32 @!p0 $0x0, s1;
	[sflag:s0] =	ssyncset.done @!p0 $0x0  }
0x2d: {  	[sflag:s0] =	ssyncadd.s32 @!p0 s1  }
0x2e: {  	[bflag:$0x3] =	sbarrier.arrive $0xFFFF  }
0x2f: {  	_ =	shalt  }

</sc_bundles>
